<compile_context>
chip_gen: v7x
topology: tpu7x:2x2x1
jax: 0.10.2.dev20260603
libtpu: 0.0.44.dev20260713+nightly
codegen_flags: <defaults>
</compile_context>

<pallas_src>
import functools

import jax
import jax.numpy as jnp
from jax import lax
from jax.experimental import pallas as pl
from jax.experimental.pallas import tpu as pltpu
from jax.experimental.pallas import tpu_sc as plsc

_NC = 2
_NS = 16
_C = 64


def _sc_replicate(xf, r):
    rows, d = xf.shape
    nw = _NC * _NS
    rpw = rows // nw
    mesh = plsc.VectorSubcoreMesh(core_axis_name="c", subcore_axis_name="s")

    nchunk = rpw // _C

    @functools.partial(
        pl.kernel,
        out_type=jax.ShapeDtypeStruct((rows, r, d), xf.dtype),
        mesh=mesh,
        scratch_types=[
            pltpu.VMEM((_C, d), xf.dtype),
            pltpu.SemaphoreType.DMA,
            pltpu.SemaphoreType.DMA,
        ],
    )
    def run(x_hbm, out_hbm, buf, sem_in, sem_out):
        wid = lax.axis_index("s") * _NC + lax.axis_index("c")
        base = wid * rpw

        def body(i, carry):
            s = base + i * _C
            cp = pltpu.make_async_copy(x_hbm.at[pl.ds(s, _C), :], buf, sem_in)
            cp.start()
            cp.wait()
            for j in range(r):
                pltpu.make_async_copy(
                    buf, out_hbm.at[pl.ds(s, _C), j, :], sem_out
                ).start()
            for j in range(r):
                pltpu.make_async_copy(
                    buf, out_hbm.at[pl.ds(s, _C), j, :], sem_out
                ).wait()
            return carry

        lax.fori_loop(0, nchunk, body, 0)

    return run(xf)


def kernel(x, idx):
    b, t, d = x.shape
    r = idx.shape[1]
    out = _sc_replicate(x.reshape(b * t, d), r)
    out = out.reshape(b, t, r, d)
    return jnp.expand_dims(jnp.transpose(out, (0, 1, 3, 2)), 3)

# --- scband reference (transcript-rebuilt; emitter-appended) ---
"""Pipeline reference for scband-shuffle-per-repetition-layer-8040178778326 (READ-ONLY COPY).

The authoritative reference and input builder live on the scoring server;
editing this copy changes nothing except your own understanding.
"""

import jax, jax.numpy as jnp
import numpy as np

B, T, D, R = 2, 2048, 1024, 8

def setup_inputs(seed: int = 0) -> dict:
    key = jax.random.key(seed)
    kx, ki = jax.random.split(key)
    x = jax.random.normal(kx, (B, T, D), dtype=jnp.float32)
    # Faithful to torch: idx = torch.randn(D, R).argsort(dim=1)
    idx = jnp.argsort(jax.random.normal(ki, (D, R), dtype=jnp.float32), axis=1).astype(jnp.int32)
    return {"x": x, "idx": idx}

def reference(x, idx):
    b, t, d = x.shape
    r = idx.shape[1]
    # x.unsqueeze(-1).expand(-1,-1,-1,R)
    x_exp = jnp.broadcast_to(x[..., None], (b, t, d, r))
    # idx.expand(*x.shape[:2], -1, -1)
    idx_exp = jnp.broadcast_to(idx[None, None, :, :], (b, t, d, r))
    # gather(-1, idx)
    out = jnp.take_along_axis(x_exp, idx_exp, axis=-1)
    # x.unsqueeze(3)
    out = jnp.expand_dims(out, 3)
    return out

if __name__ == "__main__":
    import jax
    _d = setup_inputs()
    print(jax.jit(kernel)(*tuple(_d.values())))

</pallas_src>

<mosaic_0001>
#map = affine_map<(d0, d1) -> (0, 0)>
#map1 = affine_map<(d0, d1) -> (0, 0, 0)>
module attributes {stable_mosaic.version = 14 : i64} {
  func.func @run(%arg0: i32, %arg1: i32, %arg2: memref<4096x1024xf32, #tpu.memory_space<hbm>>, %arg3: memref<4096x8x1024xf32, #tpu.memory_space<hbm>>, %arg4: memref<64x1024xf32, #tpu.memory_space<vmem>>, %arg5: memref<!tpu.dma_semaphore, #tpu.memory_space<semaphore_mem>>, %arg6: memref<!tpu.dma_semaphore, #tpu.memory_space<semaphore_mem>>) attributes {dimension_semantics = [#tpu.dimension_semantics<core_parallel>, #tpu.dimension_semantics<subcore_parallel>], iteration_bounds = array<i64: 2, 16>, scalar_prefetch = 0 : i64, scratch_operands = 3 : i64, tpu.core_type = #tpu.core_type<sc_vector_subcore>, window_params = [{transform_indices = #map}, {transform_indices = #map1}]} {
    %mul3A = arith.constant 2 : i32
    %mul3A_0 = arith.muli %arg1, %mul3A : i32
    %add3A = arith.addi %mul3A_0, %arg0 : i32
    %mul3A_1 = arith.constant 128 : i32
    %mul3A_2 = arith.muli %add3A, %mul3A_1 : i32
    %scan3A = arith.constant 0 : i32
    %scan3A_3 = arith.constant 0 : i32
    %scan3A_4 = arith.constant 2 : i32
    %scan3A_5 = arith.addi %scan3A_3, %scan3A_4 : i32
    %scan3A_6 = arith.constant 1 : i32
    scf.for %scan3A_8 = %scan3A_3 to %scan3A_5 step %scan3A_6  : i32 {
      %mul3A_9 = arith.constant 64 : i32
      %mul3A_10 = arith.muli %scan3A_8, %mul3A_9 : i32
      %add3A_11 = arith.addi %mul3A_2, %mul3A_10 : i32
      %dma_start3A = arith.constant 0 : i32
      %dma_start3A_12 = tpu.memref_slice %arg2[%add3A_11, %dma_start3A] : memref<4096x1024xf32, #tpu.memory_space<hbm>> -> memref<64x1024xf32, #tpu.memory_space<hbm>>
      %dma_start3A_13 = arith.constant 0 : i32
      %dma_start3A_14 = tpu.memref_slice %arg2[%add3A_11, %dma_start3A_13] : memref<4096x1024xf32, #tpu.memory_space<hbm>> -> memref<64x1024xf32, #tpu.memory_space<hbm>>
      tpu.enqueue_dma source(%dma_start3A_14 : memref<64x1024xf32, #tpu.memory_space<hbm>>) target(%arg4 : memref<64x1024xf32, #tpu.memory_space<vmem>>) target_semaphore(%arg5 : memref<!tpu.dma_semaphore, #tpu.memory_space<semaphore_mem>>)
      %dma_wait3A = arith.constant 0 : i32
      %dma_wait3A_15 = tpu.memref_slice %arg2[%add3A_11, %dma_wait3A] : memref<4096x1024xf32, #tpu.memory_space<hbm>> -> memref<64x1024xf32, #tpu.memory_space<hbm>>
      %dma_wait3A_16 = arith.constant 0 : i32
      %dma_wait3A_17 = tpu.memref_slice %arg2[%add3A_11, %dma_wait3A_16] : memref<4096x1024xf32, #tpu.memory_space<hbm>> -> memref<64x1024xf32, #tpu.memory_space<hbm>>
      tpu.wait_dma2 semaphore(%arg5 : memref<!tpu.dma_semaphore, #tpu.memory_space<semaphore_mem>>) src(%dma_wait3A_17 : memref<64x1024xf32, #tpu.memory_space<hbm>>) dst(%arg4 : memref<64x1024xf32, #tpu.memory_space<vmem>>)
      %dma_start3A_18 = arith.constant 0 : i32
      %dma_start3A_19 = arith.constant 0 : i32
      %dma_start3A_20 = tpu.memref_slice %arg3[%add3A_11, %dma_start3A_18, %dma_start3A_19] : memref<4096x8x1024xf32, #tpu.memory_space<hbm>> -> memref<64x1x1024xf32, #tpu.memory_space<hbm>>
      %dma_start3A_21 = tpu.memref_squeeze %dma_start3A_20 : memref<64x1x1024xf32, #tpu.memory_space<hbm>> -> memref<64x1024xf32, #tpu.memory_space<hbm>>
      %dma_start3A_22 = arith.constant 0 : i32
      %dma_start3A_23 = tpu.memref_slice %arg3[%add3A_11, %dma_start3A_18, %dma_start3A_22] : memref<4096x8x1024xf32, #tpu.memory_space<hbm>> -> memref<64x1x1024xf32, #tpu.memory_space<hbm>>
      %dma_start3A_24 = tpu.memref_squeeze %dma_start3A_23 : memref<64x1x1024xf32, #tpu.memory_space<hbm>> -> memref<64x1024xf32, #tpu.memory_space<hbm>>
      tpu.enqueue_dma source(%arg4 : memref<64x1024xf32, #tpu.memory_space<vmem>>) target(%dma_start3A_24 : memref<64x1024xf32, #tpu.memory_space<hbm>>) target_semaphore(%arg6 : memref<!tpu.dma_semaphore, #tpu.memory_space<semaphore_mem>>)
      %dma_start3A_25 = arith.constant 1 : i32
      %dma_start3A_26 = arith.constant 0 : i32
      %dma_start3A_27 = tpu.memref_slice %arg3[%add3A_11, %dma_start3A_25, %dma_start3A_26] : memref<4096x8x1024xf32, #tpu.memory_space<hbm>> -> memref<64x1x1024xf32, #tpu.memory_space<hbm>>
      %dma_start3A_28 = tpu.memref_squeeze %dma_start3A_27 : memref<64x1x1024xf32, #tpu.memory_space<hbm>> -> memref<64x1024xf32, #tpu.memory_space<hbm>>
      %dma_start3A_29 = arith.constant 0 : i32
      %dma_start3A_30 = tpu.memref_slice %arg3[%add3A_11, %dma_start3A_25, %dma_start3A_29] : memref<4096x8x1024xf32, #tpu.memory_space<hbm>> -> memref<64x1x1024xf32, #tpu.memory_space<hbm>>
      %dma_start3A_31 = tpu.memref_squeeze %dma_start3A_30 : memref<64x1x1024xf32, #tpu.memory_space<hbm>> -> memref<64x1024xf32, #tpu.memory_space<hbm>>
      tpu.enqueue_dma source(%arg4 : memref<64x1024xf32, #tpu.memory_space<vmem>>) target(%dma_start3A_31 : memref<64x1024xf32, #tpu.memory_space<hbm>>) target_semaphore(%arg6 : memref<!tpu.dma_semaphore, #tpu.memory_space<semaphore_mem>>)
      %dma_start3A_32 = arith.constant 2 : i32
      %dma_start3A_33 = arith.constant 0 : i32
      %dma_start3A_34 = tpu.memref_slice %arg3[%add3A_11, %dma_start3A_32, %dma_start3A_33] : memref<4096x8x1024xf32, #tpu.memory_space<hbm>> -> memref<64x1x1024xf32, #tpu.memory_space<hbm>>
      %dma_start3A_35 = tpu.memref_squeeze %dma_start3A_34 : memref<64x1x1024xf32, #tpu.memory_space<hbm>> -> memref<64x1024xf32, #tpu.memory_space<hbm>>
      %dma_start3A_36 = arith.constant 0 : i32
      %dma_start3A_37 = tpu.memref_slice %arg3[%add3A_11, %dma_start3A_32, %dma_start3A_36] : memref<4096x8x1024xf32, #tpu.memory_space<hbm>> -> memref<64x1x1024xf32, #tpu.memory_space<hbm>>
      %dma_start3A_38 = tpu.memref_squeeze %dma_start3A_37 : memref<64x1x1024xf32, #tpu.memory_space<hbm>> -> memref<64x1024xf32, #tpu.memory_space<hbm>>
      tpu.enqueue_dma source(%arg4 : memref<64x1024xf32, #tpu.memory_space<vmem>>) target(%dma_start3A_38 : memref<64x1024xf32, #tpu.memory_space<hbm>>) target_semaphore(%arg6 : memref<!tpu.dma_semaphore, #tpu.memory_space<semaphore_mem>>)
      %dma_start3A_39 = arith.constant 3 : i32
      %dma_start3A_40 = arith.constant 0 : i32
      %dma_start3A_41 = tpu.memref_slice %arg3[%add3A_11, %dma_start3A_39, %dma_start3A_40] : memref<4096x8x1024xf32, #tpu.memory_space<hbm>> -> memref<64x1x1024xf32, #tpu.memory_space<hbm>>
      %dma_start3A_42 = tpu.memref_squeeze %dma_start3A_41 : memref<64x1x1024xf32, #tpu.memory_space<hbm>> -> memref<64x1024xf32, #tpu.memory_space<hbm>>
      %dma_start3A_43 = arith.constant 0 : i32
      %dma_start3A_44 = tpu.memref_slice %arg3[%add3A_11, %dma_start3A_39, %dma_start3A_43] : memref<4096x8x1024xf32, #tpu.memory_space<hbm>> -> memref<64x1x1024xf32, #tpu.memory_space<hbm>>
      %dma_start3A_45 = tpu.memref_squeeze %dma_start3A_44 : memref<64x1x1024xf32, #tpu.memory_space<hbm>> -> memref<64x1024xf32, #tpu.memory_space<hbm>>
      tpu.enqueue_dma source(%arg4 : memref<64x1024xf32, #tpu.memory_space<vmem>>) target(%dma_start3A_45 : memref<64x1024xf32, #tpu.memory_space<hbm>>) target_semaphore(%arg6 : memref<!tpu.dma_semaphore, #tpu.memory_space<semaphore_mem>>)
      %dma_start3A_46 = arith.constant 4 : i32
      %dma_start3A_47 = arith.constant 0 : i32
      %dma_start3A_48 = tpu.memref_slice %arg3[%add3A_11, %dma_start3A_46, %dma_start3A_47] : memref<4096x8x1024xf32, #tpu.memory_space<hbm>> -> memref<64x1x1024xf32, #tpu.memory_space<hbm>>
      %dma_start3A_49 = tpu.memref_squeeze %dma_start3A_48 : memref<64x1x1024xf32, #tpu.memory_space<hbm>> -> memref<64x1024xf32, #tpu.memory_space<hbm>>
      %dma_start3A_50 = arith.constant 0 : i32
      %dma_start3A_51 = tpu.memref_slice %arg3[%add3A_11, %dma_start3A_46, %dma_start3A_50] : memref<4096x8x1024xf32, #tpu.memory_space<hbm>> -> memref<64x1x1024xf32, #tpu.memory_space<hbm>>
      %dma_start3A_52 = tpu.memref_squeeze %dma_start3A_51 : memref<64x1x1024xf32, #tpu.memory_space<hbm>> -> memref<64x1024xf32, #tpu.memory_space<hbm>>
      tpu.enqueue_dma source(%arg4 : memref<64x1024xf32, #tpu.memory_space<vmem>>) target(%dma_start3A_52 : memref<64x1024xf32, #tpu.memory_space<hbm>>) target_semaphore(%arg6 : memref<!tpu.dma_semaphore, #tpu.memory_space<semaphore_mem>>)
      %dma_start3A_53 = arith.constant 5 : i32
      %dma_start3A_54 = arith.constant 0 : i32
      %dma_start3A_55 = tpu.memref_slice %arg3[%add3A_11, %dma_start3A_53, %dma_start3A_54] : memref<4096x8x1024xf32, #tpu.memory_space<hbm>> -> memref<64x1x1024xf32, #tpu.memory_space<hbm>>
      %dma_start3A_56 = tpu.memref_squeeze %dma_start3A_55 : memref<64x1x1024xf32, #tpu.memory_space<hbm>> -> memref<64x1024xf32, #tpu.memory_space<hbm>>
      %dma_start3A_57 = arith.constant 0 : i32
      %dma_start3A_58 = tpu.memref_slice %arg3[%add3A_11, %dma_start3A_53, %dma_start3A_57] : memref<4096x8x1024xf32, #tpu.memory_space<hbm>> -> memref<64x1x1024xf32, #tpu.memory_space<hbm>>
      %dma_start3A_59 = tpu.memref_squeeze %dma_start3A_58 : memref<64x1x1024xf32, #tpu.memory_space<hbm>> -> memref<64x1024xf32, #tpu.memory_space<hbm>>
      tpu.enqueue_dma source(%arg4 : memref<64x1024xf32, #tpu.memory_space<vmem>>) target(%dma_start3A_59 : memref<64x1024xf32, #tpu.memory_space<hbm>>) target_semaphore(%arg6 : memref<!tpu.dma_semaphore, #tpu.memory_space<semaphore_mem>>)
      %dma_start3A_60 = arith.constant 6 : i32
      %dma_start3A_61 = arith.constant 0 : i32
      %dma_start3A_62 = tpu.memref_slice %arg3[%add3A_11, %dma_start3A_60, %dma_start3A_61] : memref<4096x8x1024xf32, #tpu.memory_space<hbm>> -> memref<64x1x1024xf32, #tpu.memory_space<hbm>>
      %dma_start3A_63 = tpu.memref_squeeze %dma_start3A_62 : memref<64x1x1024xf32, #tpu.memory_space<hbm>> -> memref<64x1024xf32, #tpu.memory_space<hbm>>
      %dma_start3A_64 = arith.constant 0 : i32
      %dma_start3A_65 = tpu.memref_slice %arg3[%add3A_11, %dma_start3A_60, %dma_start3A_64] : memref<4096x8x1024xf32, #tpu.memory_space<hbm>> -> memref<64x1x1024xf32, #tpu.memory_space<hbm>>
      %dma_start3A_66 = tpu.memref_squeeze %dma_start3A_65 : memref<64x1x1024xf32, #tpu.memory_space<hbm>> -> memref<64x1024xf32, #tpu.memory_space<hbm>>
      tpu.enqueue_dma source(%arg4 : memref<64x1024xf32, #tpu.memory_space<vmem>>) target(%dma_start3A_66 : memref<64x1024xf32, #tpu.memory_space<hbm>>) target_semaphore(%arg6 : memref<!tpu.dma_semaphore, #tpu.memory_space<semaphore_mem>>)
      %dma_start3A_67 = arith.constant 7 : i32
      %dma_start3A_68 = arith.constant 0 : i32
      %dma_start3A_69 = tpu.memref_slice %arg3[%add3A_11, %dma_start3A_67, %dma_start3A_68] : memref<4096x8x1024xf32, #tpu.memory_space<hbm>> -> memref<64x1x1024xf32, #tpu.memory_space<hbm>>
      %dma_start3A_70 = tpu.memref_squeeze %dma_start3A_69 : memref<64x1x1024xf32, #tpu.memory_space<hbm>> -> memref<64x1024xf32, #tpu.memory_space<hbm>>
      %dma_start3A_71 = arith.constant 0 : i32
      %dma_start3A_72 = tpu.memref_slice %arg3[%add3A_11, %dma_start3A_67, %dma_start3A_71] : memref<4096x8x1024xf32, #tpu.memory_space<hbm>> -> memref<64x1x1024xf32, #tpu.memory_space<hbm>>
      %dma_start3A_73 = tpu.memref_squeeze %dma_start3A_72 : memref<64x1x1024xf32, #tpu.memory_space<hbm>> -> memref<64x1024xf32, #tpu.memory_space<hbm>>
      tpu.enqueue_dma source(%arg4 : memref<64x1024xf32, #tpu.memory_space<vmem>>) target(%dma_start3A_73 : memref<64x1024xf32, #tpu.memory_space<hbm>>) target_semaphore(%arg6 : memref<!tpu.dma_semaphore, #tpu.memory_space<semaphore_mem>>)
      %dma_wait3A_74 = arith.constant 0 : i32
      %dma_wait3A_75 = arith.constant 0 : i32
      %dma_wait3A_76 = tpu.memref_slice %arg3[%add3A_11, %dma_wait3A_74, %dma_wait3A_75] : memref<4096x8x1024xf32, #tpu.memory_space<hbm>> -> memref<64x1x1024xf32, #tpu.memory_space<hbm>>
      %dma_wait3A_77 = tpu.memref_squeeze %dma_wait3A_76 : memref<64x1x1024xf32, #tpu.memory_space<hbm>> -> memref<64x1024xf32, #tpu.memory_space<hbm>>
      %dma_wait3A_78 = arith.constant 0 : i32
      %dma_wait3A_79 = tpu.memref_slice %arg3[%add3A_11, %dma_wait3A_74, %dma_wait3A_78] : memref<4096x8x1024xf32, #tpu.memory_space<hbm>> -> memref<64x1x1024xf32, #tpu.memory_space<hbm>>
      %dma_wait3A_80 = tpu.memref_squeeze %dma_wait3A_79 : memref<64x1x1024xf32, #tpu.memory_space<hbm>> -> memref<64x1024xf32, #tpu.memory_space<hbm>>
      tpu.wait_dma2 semaphore(%arg6 : memref<!tpu.dma_semaphore, #tpu.memory_space<semaphore_mem>>) src(%arg4 : memref<64x1024xf32, #tpu.memory_space<vmem>>) dst(%dma_wait3A_80 : memref<64x1024xf32, #tpu.memory_space<hbm>>)
      %dma_wait3A_81 = arith.constant 1 : i32
      %dma_wait3A_82 = arith.constant 0 : i32
      %dma_wait3A_83 = tpu.memref_slice %arg3[%add3A_11, %dma_wait3A_81, %dma_wait3A_82] : memref<4096x8x1024xf32, #tpu.memory_space<hbm>> -> memref<64x1x1024xf32, #tpu.memory_space<hbm>>
      %dma_wait3A_84 = tpu.memref_squeeze %dma_wait3A_83 : memref<64x1x1024xf32, #tpu.memory_space<hbm>> -> memref<64x1024xf32, #tpu.memory_space<hbm>>
      %dma_wait3A_85 = arith.constant 0 : i32
      %dma_wait3A_86 = tpu.memref_slice %arg3[%add3A_11, %dma_wait3A_81, %dma_wait3A_85] : memref<4096x8x1024xf32, #tpu.memory_space<hbm>> -> memref<64x1x1024xf32, #tpu.memory_space<hbm>>
      %dma_wait3A_87 = tpu.memref_squeeze %dma_wait3A_86 : memref<64x1x1024xf32, #tpu.memory_space<hbm>> -> memref<64x1024xf32, #tpu.memory_space<hbm>>
      tpu.wait_dma2 semaphore(%arg6 : memref<!tpu.dma_semaphore, #tpu.memory_space<semaphore_mem>>) src(%arg4 : memref<64x1024xf32, #tpu.memory_space<vmem>>) dst(%dma_wait3A_87 : memref<64x1024xf32, #tpu.memory_space<hbm>>)
      %dma_wait3A_88 = arith.constant 2 : i32
      %dma_wait3A_89 = arith.constant 0 : i32
      %dma_wait3A_90 = tpu.memref_slice %arg3[%add3A_11, %dma_wait3A_88, %dma_wait3A_89] : memref<4096x8x1024xf32, #tpu.memory_space<hbm>> -> memref<64x1x1024xf32, #tpu.memory_space<hbm>>
      %dma_wait3A_91 = tpu.memref_squeeze %dma_wait3A_90 : memref<64x1x1024xf32, #tpu.memory_space<hbm>> -> memref<64x1024xf32, #tpu.memory_space<hbm>>
      %dma_wait3A_92 = arith.constant 0 : i32
      %dma_wait3A_93 = tpu.memref_slice %arg3[%add3A_11, %dma_wait3A_88, %dma_wait3A_92] : memref<4096x8x1024xf32, #tpu.memory_space<hbm>> -> memref<64x1x1024xf32, #tpu.memory_space<hbm>>
      %dma_wait3A_94 = tpu.memref_squeeze %dma_wait3A_93 : memref<64x1x1024xf32, #tpu.memory_space<hbm>> -> memref<64x1024xf32, #tpu.memory_space<hbm>>
      tpu.wait_dma2 semaphore(%arg6 : memref<!tpu.dma_semaphore, #tpu.memory_space<semaphore_mem>>) src(%arg4 : memref<64x1024xf32, #tpu.memory_space<vmem>>) dst(%dma_wait3A_94 : memref<64x1024xf32, #tpu.memory_space<hbm>>)
      %dma_wait3A_95 = arith.constant 3 : i32
      %dma_wait3A_96 = arith.constant 0 : i32
      %dma_wait3A_97 = tpu.memref_slice %arg3[%add3A_11, %dma_wait3A_95, %dma_wait3A_96] : memref<4096x8x1024xf32, #tpu.memory_space<hbm>> -> memref<64x1x1024xf32, #tpu.memory_space<hbm>>
      %dma_wait3A_98 = tpu.memref_squeeze %dma_wait3A_97 : memref<64x1x1024xf32, #tpu.memory_space<hbm>> -> memref<64x1024xf32, #tpu.memory_space<hbm>>
      %dma_wait3A_99 = arith.constant 0 : i32
      %dma_wait3A_100 = tpu.memref_slice %arg3[%add3A_11, %dma_wait3A_95, %dma_wait3A_99] : memref<4096x8x1024xf32, #tpu.memory_space<hbm>> -> memref<64x1x1024xf32, #tpu.memory_space<hbm>>
      %dma_wait3A_101 = tpu.memref_squeeze %dma_wait3A_100 : memref<64x1x1024xf32, #tpu.memory_space<hbm>> -> memref<64x1024xf32, #tpu.memory_space<hbm>>
      tpu.wait_dma2 semaphore(%arg6 : memref<!tpu.dma_semaphore, #tpu.memory_space<semaphore_mem>>) src(%arg4 : memref<64x1024xf32, #tpu.memory_space<vmem>>) dst(%dma_wait3A_101 : memref<64x1024xf32, #tpu.memory_space<hbm>>)
      %dma_wait3A_102 = arith.constant 4 : i32
      %dma_wait3A_103 = arith.constant 0 : i32
      %dma_wait3A_104 = tpu.memref_slice %arg3[%add3A_11, %dma_wait3A_102, %dma_wait3A_103] : memref<4096x8x1024xf32, #tpu.memory_space<hbm>> -> memref<64x1x1024xf32, #tpu.memory_space<hbm>>
      %dma_wait3A_105 = tpu.memref_squeeze %dma_wait3A_104 : memref<64x1x1024xf32, #tpu.memory_space<hbm>> -> memref<64x1024xf32, #tpu.memory_space<hbm>>
      %dma_wait3A_106 = arith.constant 0 : i32
      %dma_wait3A_107 = tpu.memref_slice %arg3[%add3A_11, %dma_wait3A_102, %dma_wait3A_106] : memref<4096x8x1024xf32, #tpu.memory_space<hbm>> -> memref<64x1x1024xf32, #tpu.memory_space<hbm>>
      %dma_wait3A_108 = tpu.memref_squeeze %dma_wait3A_107 : memref<64x1x1024xf32, #tpu.memory_space<hbm>> -> memref<64x1024xf32, #tpu.memory_space<hbm>>
      tpu.wait_dma2 semaphore(%arg6 : memref<!tpu.dma_semaphore, #tpu.memory_space<semaphore_mem>>) src(%arg4 : memref<64x1024xf32, #tpu.memory_space<vmem>>) dst(%dma_wait3A_108 : memref<64x1024xf32, #tpu.memory_space<hbm>>)
      %dma_wait3A_109 = arith.constant 5 : i32
      %dma_wait3A_110 = arith.constant 0 : i32
      %dma_wait3A_111 = tpu.memref_slice %arg3[%add3A_11, %dma_wait3A_109, %dma_wait3A_110] : memref<4096x8x1024xf32, #tpu.memory_space<hbm>> -> memref<64x1x1024xf32, #tpu.memory_space<hbm>>
      %dma_wait3A_112 = tpu.memref_squeeze %dma_wait3A_111 : memref<64x1x1024xf32, #tpu.memory_space<hbm>> -> memref<64x1024xf32, #tpu.memory_space<hbm>>
      %dma_wait3A_113 = arith.constant 0 : i32
      %dma_wait3A_114 = tpu.memref_slice %arg3[%add3A_11, %dma_wait3A_109, %dma_wait3A_113] : memref<4096x8x1024xf32, #tpu.memory_space<hbm>> -> memref<64x1x1024xf32, #tpu.memory_space<hbm>>
      %dma_wait3A_115 = tpu.memref_squeeze %dma_wait3A_114 : memref<64x1x1024xf32, #tpu.memory_space<hbm>> -> memref<64x1024xf32, #tpu.memory_space<hbm>>
      tpu.wait_dma2 semaphore(%arg6 : memref<!tpu.dma_semaphore, #tpu.memory_space<semaphore_mem>>) src(%arg4 : memref<64x1024xf32, #tpu.memory_space<vmem>>) dst(%dma_wait3A_115 : memref<64x1024xf32, #tpu.memory_space<hbm>>)
      %dma_wait3A_116 = arith.constant 6 : i32
      %dma_wait3A_117 = arith.constant 0 : i32
      %dma_wait3A_118 = tpu.memref_slice %arg3[%add3A_11, %dma_wait3A_116, %dma_wait3A_117] : memref<4096x8x1024xf32, #tpu.memory_space<hbm>> -> memref<64x1x1024xf32, #tpu.memory_space<hbm>>
      %dma_wait3A_119 = tpu.memref_squeeze %dma_wait3A_118 : memref<64x1x1024xf32, #tpu.memory_space<hbm>> -> memref<64x1024xf32, #tpu.memory_space<hbm>>
      %dma_wait3A_120 = arith.constant 0 : i32
      %dma_wait3A_121 = tpu.memref_slice %arg3[%add3A_11, %dma_wait3A_116, %dma_wait3A_120] : memref<4096x8x1024xf32, #tpu.memory_space<hbm>> -> memref<64x1x1024xf32, #tpu.memory_space<hbm>>
      %dma_wait3A_122 = tpu.memref_squeeze %dma_wait3A_121 : memref<64x1x1024xf32, #tpu.memory_space<hbm>> -> memref<64x1024xf32, #tpu.memory_space<hbm>>
      tpu.wait_dma2 semaphore(%arg6 : memref<!tpu.dma_semaphore, #tpu.memory_space<semaphore_mem>>) src(%arg4 : memref<64x1024xf32, #tpu.memory_space<vmem>>) dst(%dma_wait3A_122 : memref<64x1024xf32, #tpu.memory_space<hbm>>)
      %dma_wait3A_123 = arith.constant 7 : i32
      %dma_wait3A_124 = arith.constant 0 : i32
      %dma_wait3A_125 = tpu.memref_slice %arg3[%add3A_11, %dma_wait3A_123, %dma_wait3A_124] : memref<4096x8x1024xf32, #tpu.memory_space<hbm>> -> memref<64x1x1024xf32, #tpu.memory_space<hbm>>
      %dma_wait3A_126 = tpu.memref_squeeze %dma_wait3A_125 : memref<64x1x1024xf32, #tpu.memory_space<hbm>> -> memref<64x1024xf32, #tpu.memory_space<hbm>>
      %dma_wait3A_127 = arith.constant 0 : i32
      %dma_wait3A_128 = tpu.memref_slice %arg3[%add3A_11, %dma_wait3A_123, %dma_wait3A_127] : memref<4096x8x1024xf32, #tpu.memory_space<hbm>> -> memref<64x1x1024xf32, #tpu.memory_space<hbm>>
      %dma_wait3A_129 = tpu.memref_squeeze %dma_wait3A_128 : memref<64x1x1024xf32, #tpu.memory_space<hbm>> -> memref<64x1024xf32, #tpu.memory_space<hbm>>
      tpu.wait_dma2 semaphore(%arg6 : memref<!tpu.dma_semaphore, #tpu.memory_space<semaphore_mem>>) src(%arg4 : memref<64x1024xf32, #tpu.memory_space<vmem>>) dst(%dma_wait3A_129 : memref<64x1024xf32, #tpu.memory_space<hbm>>)
    }
    %scan3A_7 = arith.constant 2 : i32
    return
  }
}

</mosaic_0001>

<sc_bundles>
// kernel: kernel.3.cloned.1.call-start
scs
__scs_entry_jumppad:
0x0: {  	(pc) =	sbr.rel $0x88, $3  }
0x1: {  	(tag) =	ssettag $0x0;
	lr =	simm.s32 $0x1  }
0x2: {  	[smem:$0x3FA0] =	sst lr;
	_ =	strace $0xD0000000  }
0x3: {  	_ = 	snop  }
0x4: {  	_ = 	snop  }
0x5: {  	_ = 	snop  }
0x6: {  	_ = 	snop  }
0x7: {  	_ = 	snop  }
__scs_overlays_trampoline_lowered:
0x8: {  	[smem:$0x3FAF] =	sst s0  }
0x9: {  	[smem:$0x3FB0] =	sst s1  }
0xa: {  	[smem:$0x3FB1] =	sst s2  }
0xb: {  	[smem:$0x3FB2] =	sst s3  }
0xc: {  	[smem:$0x3FB3] =	sst s4  }
0xd: {  	[smem:$0x3FB4] =	sst s5  }
0xe: {  	[smem:$0x3FB5] =	sst s6  }
0xf: {  	[smem:$0x3FB6] =	sst s7  }
0x10: {  	[smem:$0x3FB7] =	sst s8  }
0x11: {  	[smem:$0x3FB8] =	sst s9;
	s0 =	simm.s32 @!p0 $0x0  }
0x12: {  	s1 =	sld [smem:$0x3F9E];
	s0 =	simm.s32 @p0 $0x1  }
0x13: {  	[smem:$0x3FB9] =	sst s0;
	s0 =	simm.s32 @!p1 $0x0  }
0x14: {  	s2 =	sld [smem:$0x3F9D];
	s0 =	simm.s32 @p1 $0x1  }
0x15: {  	[smem:$0x3FBA] =	sst s0;
	s0 =	simm.s32 @!p2 $0x0  }
0x16: {  	s3 =	sld [smem:$0x3FDB];
	s0 =	simm.s32 @p2 $0x1  }
0x17: {  	s4 =	simm.s32 $0x1BF5;
	[smem:$0x3FBC] =	sst s0  }
0x18: {  	s0 =	sld [smem:$0x3F9F];
	_ =	swait.ge [sflag:s4], $0x0  }
0x19: {  	s7 =	sld [smem:$0x3FA0]  }
0x1a: {  	s8 =	sadd.s32 $0xFFFFE003, lr  }
0x1b: {  	s9 =	sadd.s32 $0xFFFFFEF7, lr;
	s5 =	simm.s32 $0xFFFFFFFF;
	p2 =	slt.u32 s8, $0xFFFFF086  }
0x1c: {  	p1 =	slt.u32 s9, $0xF7A;
	s5 =	simm.s32 @!p2 $0x0  }
0x1d: {  	s5 =	simm.s32 @p1 $0x1;
	p0 =	seq.s32 s7, s2  }
0x1e: {  	s7 =	smul.u32 @!p0 $0xF7A, s2;
	p2 =	seq.s32 @!p0 s5, $0x0  }
0x1f: {  	s9 =	smul.u32 $0xF7A, s1;
	s8 =	simm.s32 @!p0 $0x1BF5;
	p2 =	por !p2, p0  }
0x20: {  	[sflag:s8] =	ssyncset.s32 @!p0 $0xFFFFF086;
	s6 =	sadd.s32 @!p0 s3, s7;
	s7 =	simm.s32 @!p0 $0x108  }
0x21: {  	s3 =	sadd.s32 s3, s9;
	s6 =	sadd.s32 @!p0 $0x88, s6;
	s7 =	simm.s32 @p2 $0x1082  }
0x22: {  	[simem:s7], [sflag:s8] =	dma.local @!p0 [hbm:s6], $0xF7A  }
0x23: {  	s9 =	sor.u32 $0xD0000000, s2;
	s6 =	simm.s32 $0x108;
	_ =	swait.ge @!p0 [sflag:s8], $0x0  }
0x24: {  	s3 =	sadd.s32 $0x88, s3;
	s6 =	simm.s32 @!p1 $0x1082;
	[sflag:s4] =	ssyncset.s32 $0xFFFFF086  }
0x25: {  	[simem:s6], [sflag:s4] =	dma.local [hbm:s3], $0xF7A  }
0x26: {  	[smem:$0x3FA0] =	sst s1;
	(tag) =	ssettag s2;
	_ =	strace s9  }
0x27: {  	s1 =	sld [smem:$0x3FB0]  }
0x28: {  	s2 =	sld [smem:$0x3FB1]  }
0x29: {  	s4 =	sld [smem:$0x3FB3]  }
0x2a: {  	p0 =	seq.s32 s5, $0x0;
	s5 =	sld [smem:$0x3FB4]  }
0x2b: {  	s6 =	sld [smem:$0x3FB5]  }
0x2c: {  	s7 =	sld [smem:$0x3FB6]  }
0x2d: {  	s3 =	simm.s32 $0x108;
	s8 =	sld [smem:$0x3FB7]  }
0x2e: {  	s3 =	simm.s32 @!p0 $0x1082;
	s9 =	sld [smem:$0x3FB8]  }
0x2f: {  	lr =	sadd.s32 s0, s3;
	s0 =	sld [smem:$0x3FAF]  }
0x30: {  	s3 =	sld [smem:$0x3FB2]  }
0x31: {  	[smem:$0x3FBB] =	sst s10  }
0x32: {  	s10 =	sld [smem:$0x3FB9];
	_ =	sdelay $0x3  }
0x33: {  	p0 =	seq.s32 s10, $0x1;
	s10 =	sld [smem:$0x3FBB];
	_ =	sdelay $0x3  }
0x34: {  	[smem:$0x3FBB] =	sst s10  }
0x35: {  	s10 =	sld [smem:$0x3FBA];
	_ =	sdelay $0x3  }
0x36: {  	p1 =	seq.s32 s10, $0x1;
	s10 =	sld [smem:$0x3FBB];
	_ =	sdelay $0x3  }
0x37: {  	[smem:$0x3FBB] =	sst s10  }
0x38: {  	s10 =	sld [smem:$0x3FBC]  }
0x39: {  	_ = 	snop;
	(pc) =	sbr.ind lr, $3  }
0x3a: {  	_ = 	snop  }
0x3b: {  	_ = 	snop  }
0x3c: {  	p2 =	seq.s32 s10, $0x1;
	s10 =	sld [smem:$0x3FBB]  }
0x3d: {  	_ =	shalt  }
0x3e: {  	_ =	shalt  }
0x3f: {  	_ =	shalt  }
0x40: {  	_ =	shalt  }
0x41: {  	_ =	shalt  }
0x42: {  	_ =	shalt  }
0x43: {  	_ =	shalt  }
0x44: {  	_ =	shalt  }
0x45: {  	_ =	shalt  }
0x46: {  	_ =	shalt  }
0x47: {  	_ =	shalt  }
0x48: {  	_ =	shalt  }
0x49: {  	_ =	shalt  }
0x4a: {  	_ =	shalt  }
0x4b: {  	_ =	shalt  }
0x4c: {  	_ =	shalt  }
0x4d: {  	_ =	shalt  }
0x4e: {  	_ =	shalt  }
0x4f: {  	_ =	shalt  }
0x50: {  	_ =	shalt  }
0x51: {  	_ =	shalt  }
0x52: {  	_ =	shalt  }
0x53: {  	_ =	shalt  }
0x54: {  	_ =	shalt  }
0x55: {  	_ =	shalt  }
0x56: {  	_ =	shalt  }
0x57: {  	_ =	shalt  }
0x58: {  	_ =	shalt  }
0x59: {  	_ =	shalt  }
0x5a: {  	_ =	shalt  }
0x5b: {  	_ =	shalt  }
0x5c: {  	_ =	shalt  }
0x5d: {  	_ =	shalt  }
0x5e: {  	_ =	shalt  }
0x5f: {  	_ =	shalt  }
0x60: {  	_ =	shalt  }
0x61: {  	_ =	shalt  }
0x62: {  	_ =	shalt  }
0x63: {  	_ =	shalt  }
0x64: {  	_ =	shalt  }
0x65: {  	_ =	shalt  }
0x66: {  	_ =	shalt  }
0x67: {  	_ =	shalt  }
0x68: {  	_ =	shalt  }
0x69: {  	_ =	shalt  }
0x6a: {  	_ =	shalt  }
0x6b: {  	_ =	shalt  }
0x6c: {  	_ =	shalt  }
0x6d: {  	_ =	shalt  }
0x6e: {  	_ =	shalt  }
0x6f: {  	_ =	shalt  }
0x70: {  	_ =	shalt  }
0x71: {  	_ =	shalt  }
0x72: {  	_ =	shalt  }
0x73: {  	_ =	shalt  }
0x74: {  	_ =	shalt  }
0x75: {  	_ =	shalt  }
0x76: {  	_ =	shalt  }
0x77: {  	_ =	shalt  }
0x78: {  	_ =	shalt  }
0x79: {  	_ =	shalt  }
0x7a: {  	_ =	shalt  }
0x7b: {  	_ =	shalt  }
0x7c: {  	_ =	shalt  }
0x7d: {  	_ =	shalt  }
0x7e: {  	_ =	shalt  }
0x7f: {  	_ =	shalt  }
0x80: {  	_ =	shalt  }
0x81: {  	_ =	shalt  }
0x82: {  	_ =	shalt  }
0x83: {  	_ =	shalt  }
0x84: {  	_ =	shalt  }
0x85: {  	_ =	shalt  }
0x86: {  	_ =	shalt  }
0x87: {  	_ =	shalt  }
.Lfunc_end0:
.L_simem_size_0:
called_computation_lowered:
.L_overlay_start_0:
0x88: {  	s2 =	sld [smem:$0x3FD9]  }
0x89: {  	s3 =	sld [smem:$0x3FFE];
	_ =	sdelay $0x1  }
0x8a: {  	s1 =	srdreg.scid  }
0x8b: {  	s0 =	sand.u32 $0x1, s1  }
0x8c: {  	s18 =	sshll.u32 s0, $0xA;
	s2 =	sadd.s32 s3, s2  }
0x8d: {  	s2 =	sadd.s32 s2, s18  }
0x8e: {  	[smem:$0x3FC7] =	sst s2  }
0x8f: {  	_ = 	snop  }
0x90: {  	s2 =	sld [smem:$0x3FC9]  }
0x91: {  	s19 =	sld [smem:$0x3FD0];
	(tm) =	ssettm $0x1  }
0x92: {  	s4 =	sld [smem:$0x3FFB];
	_ =	sdelay $0x3  }
0x93: {  	_ =	strace s4  }
0x94: {  	s4 =	sld [smem:$0x3FFC];
	_ =	sdelay $0x3  }
0x95: {  	_ =	strace s4  }
0x96: {  	s4 =	sld [smem:$0x3FFD];
	_ =	sdelay $0x3  }
0x97: {  	_ =	strace s4  }
0x98: {  	_ =	strace $0x8FFFFFFF  }
0x99: {  	s20 =	sld [smem:$0x3FDB];
	_ =	sdelay $0x1  }
0x9a: {  	s5 =	simm.s32 $_scs_section_size  }
0x9b: {  	s6 =	simm.s32 $_size__tile_overlayer_lowered;
	s7 =	simm.s32 $_tile_overlayer_lowered  }
0x9c: {  	s23 =	simm.s32 $0x1BFF;
	s22 =	sshll.u32 s7, $0x1;
	s4 =	sadd.s32 s5, s20  }
0x9d: {  	s8 =	simm.s32 $0x0;
	s21 =	sshll.u32 s6, $0x1;
	s6 =	sadd.s32 s22, s4  }
0x9e: {  	[timem:s8], [sflag:s23] =	dma.local [hbm:s6], s21  }
0x9f: {  	_ =	swait.ge [sflag:s23], s21  }
0xa0: {  	s5 =	ssub.s32 $0x0, s21;
	[sflag:s23] =	ssyncset.done $0x0  }
0xa1: {  	[sflag:s23] =	ssyncadd.s32 s5;
	_ =	sdelay $0x1  }
0xa2: {  	s24 =	simm.s32 $0x1B8B  }
0xa3: {  	_ =	swait.ge [sflag:s24], $0x1  }
0xa4: {  	[sflag:s24] =	ssyncset.done $0x0  }
0xa5: {  	s25 =	simm.s32 $0x1B8E;
	[sflag:s24] =	ssyncadd.s32 $0xFFFFFFFF  }
0xa6: {  	s26 =	simm.s32 $execute0_lowered;
	[smem:$0x3FD2] =	sst s25  }
0xa7: {  	s5 =	sshll.u32 s26, $0x1;
	_ =	strace $0x80000046;
	[dreg:$0x1] =	wrdreg $0xFFFFFFFF  }
0xa8: {  	s28 =	simm.s32 $_size_execute0_lowered;
	s4 =	sadd.s32 s4, s5;
	[dreg:$0x0] =	wrdreg $0x0  }
0xa9: {  	s5 =	sshll.u32 s28, $0x1;
	[dreg:$0x2] =	wrdreg s4  }
0xaa: {  	[dreg:$0x3] =	wrdreg s5  }
0xab: {  	[dreg:$0x4] =	wrdreg $0xC0  }
0xac: {  	_ =	task [dreg:s8], $0x5FFFF  }
0xad: {  	[dreg:$0x1] =	wrdreg $0xFFFFFFFF  }
0xae: {  	[dreg:$0x0] =	wrdreg $0x60  }
0xaf: {  	[dreg:$0x2] =	wrdreg s2  }
0xb0: {  	[dreg:$0x3] =	wrdreg s19  }
0xb1: {  	[dreg:$0x4] =	wrdreg $0x9  }
0xb2: {  	_ =	task.clear_ibuf [dreg:s8], $0x5FFFF;
	_ =	strace $0x90000046  }
0xb3: {  	s29 =	simm.s32 $0x9;
	_ =	strace $0x80000048  }
0xb4: {  	_ =	swait.ge [sflag:s29], $0x1  }
0xb5: {  	[sflag:s29] =	ssyncadd.s32 $0xFFFFFFFF  }
0xb6: {  	_ =	strace $0x90000048  }
0xb7: {  	_ =	sfence  }
0xb8: {  	s30 =	sld [smem:$0x0];
	_ =	sdelay $0x2  }
0xb9: {  	s31 =	sshll.u32 s1, $0xD;
	s1 =	sshrl.u32 s1, $0x2  }
0xba: {  	s3 =	sand.u32 $0x4000, s31;
	s1 =	sadd.s32 s1, s30  }
0xbb: {  	s0 =	sor.u32 s3, s0;
	s1 =	sshll.u32 s1, $0x11  }
0xbc: {  	s0 =	sor.u32 s1, s0  }
0xbd: {  	s0 =	sadd.s32 $0x8F2B, s0  }
0xbe: {  	[sflag:s0] =	ssyncadd.remote.s32 $0x1  }
0xbf: {  	_ =	sfence.sel $0xFFFF  }
0xc0: {  	[dreg:$0x0] =	wrdreg $0xFFFFFFFF;
	(pc) =	sbr.abs _section_cstart, $3  }
0xc1: {  	[dreg:$0x1] =	wrdreg $0xFFFFFFFF  }
0xc2: {  	_ =	task.clear_ibuf [dreg:s8], $0x2FFFF;
	_ =	strace $0x9FFFFFFF  }
0xc3: {  	(tm) =	ssettm $0x7FFFFFFF  }
tec
execute0_lowered:
.L_overlay_start_1:
0x0: {  	(tag) =	ssettag $0x1  }
0x1: {  	s1 =	rddreg [dreg:$0x0]  }
0x2: {  	s2 =	rddreg [dreg:$0x1];
	s3 =	srdreg.scid  }
0x3: {  	s0 =	rddreg [dreg:$0x2];
	s4 =	simm.s32 $0x0;
	s14 =	simm.s32 $0x1  }
0x4: {  	s15 =	simm.s32 $0x80;
	s16 =	simm.s32 $0x2000;
	s17 =	simm.s32 $0x2  }
0x5: {  	s5 =	sand.u32 $0x1, s3;
	[smem:$0x7FF] =	sst s4;
	s3 =	stileid.u32  }
0x6: {  	s9 =	sadd.s32 $0x40, s2;
	s10 =	sadd.s32 $0x50, s2;
	s11 =	sadd.s32 $0x60, s2  }
0x7: {  	s12 =	sadd.s32 $0x70, s2;
	s6 =	ssub.s32 $0x2, s5;
	s8 =	sshll.u32 s3, $0x8  }
0x8: {  	s5 =	sshll.u32 s5, $0x7;
	_ =	strace $0x80000047;
	s7 =	sshrl.u32 s6, $0x1  }
0x9: {  	s5 =	sor.u32 s5, s8;
	s8 =	sadd.s32 $0x30, s2;
	s13 =	ssub.s32 s6, s7  }
0xa: {  	s6 =	sadd.s32 $0x10, s2;
	s7 =	sadd.s32 $0x20, s2;
	s13 =	smax.u32 s13, $0x1  }
.LBB2_1:
0xb: {  	p1 =	por $0x1, $0x1;
	s18 =	simm.s32 $0x0  }
.LBB2_2:
0xc: {  	s18 =	sor.u32 s5, s18  }
0xd: {  	s19 =	sshll.u32 s18, $0x7  }
0xe: {  	s20 =	simm.s32 $0x0;
	s19 =	sadd.s32 s1, s19  }
0xf: {  	[tilespmem:s20], [sflag:$0x1] =	stream.linear.gather [hbm4b:s19+s20], $0x10000, $0x38;
	[tilespmem:$0x10000] =	vst v63  }
0x10: {  	_ =	swait.ge [sflag:s14], $0x10000  }
0x11: {  	s18 =	sshll.u32 s18, $0xA;
	[sflag:s14] =	ssyncset.done $0x0  }
0x12: {  	s30 =	simm.s32 $0x0;
	s20 =	sadd.s32 s2, s18;
	[sflag:s14] =	ssyncadd.s32 $0xFFFF0000  }
0x13: {  	[hbm4b:s20+s15] =	stream.strided.scatter [tilespmem:s30], [sflag:$0x2], $0x400, s16, s15, $0x38;
	[tilespmem:$0x10000] =	vst v63  }
0x14: {  	s31 =	simm.s32 $0x400;
	s21 =	sadd.s32 $0x80, s20  }
0x15: {  	[hbm4b:s21+s15] =	stream.strided.scatter [tilespmem:s31], [sflag:$0x2], $0x400, s16, s15, $0x38;
	[tilespmem:$0x10000] =	vst v63  }
0x16: {  	s23 =	simm.s32 $0xC00;
	s22 =	sadd.s32 $0x100, s20;
	s21 =	simm.s32 $0x800  }
0x17: {  	[hbm4b:s22+s15] =	stream.strided.scatter [tilespmem:s21], [sflag:$0x2], $0x400, s16, s15, $0x38;
	[tilespmem:$0x10000] =	vst v63  }
0x18: {  	s25 =	simm.s32 $0x1000;
	s28 =	simm.s32 $0x1400;
	s24 =	sadd.s32 $0x180, s20  }
0x19: {  	[hbm4b:s24+s15] =	stream.strided.scatter [tilespmem:s23], [sflag:$0x2], $0x400, s16, s15, $0x38;
	[tilespmem:$0x10000] =	vst v63  }
0x1a: {  	p0 =	por p1, p1;
	s19 =	simm.s32 $0x8000;
	s26 =	sadd.s32 $0x200, s20  }
0x1b: {  	[hbm4b:s26+s15] =	stream.strided.scatter [tilespmem:s25], [sflag:$0x2], $0x400, s16, s15, $0x38;
	[tilespmem:$0x10000] =	vst v63  }
0x1c: {  	s29 =	sadd.s32 $0x280, s20;
	s30 =	simm.s32 $0x1800;
	s31 =	sadd.s32 $0x300, s20  }
0x1d: {  	[hbm4b:s29+s15] =	stream.strided.scatter [tilespmem:s28], [sflag:$0x2], $0x400, s16, s15, $0x38;
	[tilespmem:$0x10000] =	vst v63  }
0x1e: {  	s21 =	simm.s32 $0x1C00;
	s22 =	sadd.s32 $0x380, s20;
	s20 =	sadd.s32 $0x2000, s20  }
0x1f: {  	[hbm4b:s31+s15] =	stream.strided.scatter [tilespmem:s30], [sflag:$0x2], $0x400, s16, s15, $0x38;
	[tilespmem:$0x10000] =	vst v63  }
.LBB2_3:
0x20: {  	[hbm4b:s22+s15] =	stream.strided.scatter [tilespmem:s21], [sflag:$0x2], $0x400, s16, s15, $0x38;
	[tilespmem:$0x10000] =	vst v63  }
0x21: {  	s21 =	sshra.s32 s19, $0x2;
	p1 =	sne.s32 s19, $0x38000;
	s19 =	sadd.s32 $0x8000, s19  }
0x22: {  	[hbm4b:s20+s15] =	stream.strided.scatter [tilespmem:s21], [sflag:$0x2], $0x400, s16, s15, $0x38;
	[tilespmem:$0x10000] =	vst v63  }
0x23: {  	s23 =	sadd.s32 $0x80, s20;
	s22 =	sadd.s32 $0x400, s21  }
0x24: {  	[hbm4b:s23+s15] =	stream.strided.scatter [tilespmem:s22], [sflag:$0x2], $0x400, s16, s15, $0x38;
	[tilespmem:$0x10000] =	vst v63  }
0x25: {  	s22 =	sadd.s32 $0x800, s21;
	s23 =	sadd.s32 $0x100, s20  }
0x26: {  	[hbm4b:s23+s15] =	stream.strided.scatter [tilespmem:s22], [sflag:$0x2], $0x400, s16, s15, $0x38;
	[tilespmem:$0x10000] =	vst v63  }
0x27: {  	s22 =	sadd.s32 $0xC00, s21;
	s23 =	sadd.s32 $0x180, s20  }
0x28: {  	[hbm4b:s23+s15] =	stream.strided.scatter [tilespmem:s22], [sflag:$0x2], $0x400, s16, s15, $0x38;
	[tilespmem:$0x10000] =	vst v63  }
0x29: {  	s22 =	sadd.s32 $0x1000, s21;
	s23 =	sadd.s32 $0x200, s20  }
0x2a: {  	[hbm4b:s23+s15] =	stream.strided.scatter [tilespmem:s22], [sflag:$0x2], $0x400, s16, s15, $0x38;
	[tilespmem:$0x10000] =	vst v63  }
.Ltmp0:
0x2b: {  	s22 =	sadd.s32 $0x1400, s21;
	s23 =	sadd.s32 $0x280, s20;
	(pc) =	sbr.rel @p1 .LBB2_3-.Ltmp0, $4  }
0x2c: {  	[hbm4b:s23+s15] =	stream.strided.scatter [tilespmem:s22], [sflag:$0x2], $0x400, s16, s15, $0x38;
	[tilespmem:$0x10000] =	vst v63  }
0x2d: {  	s22 =	sadd.s32 $0x1800, s21;
	s23 =	sadd.s32 $0x300, s20  }
0x2e: {  	[hbm4b:s23+s15] =	stream.strided.scatter [tilespmem:s22], [sflag:$0x2], $0x400, s16, s15, $0x38;
	[tilespmem:$0x10000] =	vst v63  }
0x2f: {  	s21 =	sadd.s32 $0x1C00, s21;
	s22 =	sadd.s32 $0x380, s20;
	s20 =	sadd.s32 $0x2000, s20  }
0x30: {  	[hbm4b:s22+s15] =	stream.strided.scatter [tilespmem:s21], [sflag:$0x2], $0x400, s16, s15, $0x38;
	[tilespmem:$0x10000] =	vst v63  }
0x31: {  	s20 =	sadd.s32 s18, s6;
	s19 =	simm.s32 $0x0  }
0x32: {  	[hbm4b:s20+s15] =	stream.strided.scatter [tilespmem:s19], [sflag:$0x2], $0x400, s16, s15, $0x38;
	[tilespmem:$0x10000] =	vst v63  }
0x33: {  	s30 =	simm.s32 $0x400;
	s31 =	sadd.s32 $0x80, s20  }
0x34: {  	[hbm4b:s31+s15] =	stream.strided.scatter [tilespmem:s30], [sflag:$0x2], $0x400, s16, s15, $0x38;
	[tilespmem:$0x10000] =	vst v63  }
0x35: {  	s21 =	simm.s32 $0x800;
	s22 =	sadd.s32 $0x100, s20  }
0x36: {  	[hbm4b:s22+s15] =	stream.strided.scatter [tilespmem:s21], [sflag:$0x2], $0x400, s16, s15, $0x38;
	[tilespmem:$0x10000] =	vst v63  }
0x37: {  	s23 =	simm.s32 $0xC00;
	s25 =	simm.s32 $0x1000;
	s24 =	sadd.s32 $0x180, s20  }
0x38: {  	[hbm4b:s24+s15] =	stream.strided.scatter [tilespmem:s23], [sflag:$0x2], $0x400, s16, s15, $0x38;
	[tilespmem:$0x10000] =	vst v63  }
0x39: {  	s28 =	simm.s32 $0x1400;
	s26 =	sadd.s32 $0x200, s20;
	s29 =	sadd.s32 $0x280, s20  }
0x3a: {  	[hbm4b:s26+s15] =	stream.strided.scatter [tilespmem:s25], [sflag:$0x2], $0x400, s16, s15, $0x38;
	[tilespmem:$0x10000] =	vst v63  }
0x3b: {  	s19 =	simm.s32 $0x8000;
	s30 =	simm.s32 $0x1800;
	s31 =	sadd.s32 $0x300, s20  }
0x3c: {  	[hbm4b:s29+s15] =	stream.strided.scatter [tilespmem:s28], [sflag:$0x2], $0x400, s16, s15, $0x38;
	[tilespmem:$0x10000] =	vst v63  }
0x3d: {  	s21 =	simm.s32 $0x1C00;
	s22 =	sadd.s32 $0x380, s20;
	s20 =	sadd.s32 $0x2000, s20  }
0x3e: {  	[hbm4b:s31+s15] =	stream.strided.scatter [tilespmem:s30], [sflag:$0x2], $0x400, s16, s15, $0x38;
	[tilespmem:$0x10000] =	vst v63  }
.LBB2_5:
0x3f: {  	[hbm4b:s22+s15] =	stream.strided.scatter [tilespmem:s21], [sflag:$0x2], $0x400, s16, s15, $0x38;
	[tilespmem:$0x10000] =	vst v63  }
0x40: {  	s21 =	sshra.s32 s19, $0x2;
	p1 =	sne.s32 s19, $0x38000;
	s19 =	sadd.s32 $0x8000, s19  }
0x41: {  	[hbm4b:s20+s15] =	stream.strided.scatter [tilespmem:s21], [sflag:$0x2], $0x400, s16, s15, $0x38;
	[tilespmem:$0x10000] =	vst v63  }
0x42: {  	s23 =	sadd.s32 $0x80, s20;
	s22 =	sadd.s32 $0x400, s21  }
0x43: {  	[hbm4b:s23+s15] =	stream.strided.scatter [tilespmem:s22], [sflag:$0x2], $0x400, s16, s15, $0x38;
	[tilespmem:$0x10000] =	vst v63  }
0x44: {  	s22 =	sadd.s32 $0x800, s21;
	s23 =	sadd.s32 $0x100, s20  }
0x45: {  	[hbm4b:s23+s15] =	stream.strided.scatter [tilespmem:s22], [sflag:$0x2], $0x400, s16, s15, $0x38;
	[tilespmem:$0x10000] =	vst v63  }
0x46: {  	s22 =	sadd.s32 $0xC00, s21;
	s23 =	sadd.s32 $0x180, s20  }
0x47: {  	[hbm4b:s23+s15] =	stream.strided.scatter [tilespmem:s22], [sflag:$0x2], $0x400, s16, s15, $0x38;
	[tilespmem:$0x10000] =	vst v63  }
0x48: {  	s22 =	sadd.s32 $0x1000, s21;
	s23 =	sadd.s32 $0x200, s20  }
0x49: {  	[hbm4b:s23+s15] =	stream.strided.scatter [tilespmem:s22], [sflag:$0x2], $0x400, s16, s15, $0x38;
	[tilespmem:$0x10000] =	vst v63  }
.Ltmp1:
0x4a: {  	s22 =	sadd.s32 $0x1400, s21;
	s23 =	sadd.s32 $0x280, s20;
	(pc) =	sbr.rel @p1 .LBB2_5-.Ltmp1, $4  }
0x4b: {  	[hbm4b:s23+s15] =	stream.strided.scatter [tilespmem:s22], [sflag:$0x2], $0x400, s16, s15, $0x38;
	[tilespmem:$0x10000] =	vst v63  }
0x4c: {  	s22 =	sadd.s32 $0x1800, s21;
	s23 =	sadd.s32 $0x300, s20  }
0x4d: {  	[hbm4b:s23+s15] =	stream.strided.scatter [tilespmem:s22], [sflag:$0x2], $0x400, s16, s15, $0x38;
	[tilespmem:$0x10000] =	vst v63  }
0x4e: {  	s21 =	sadd.s32 $0x1C00, s21;
	s22 =	sadd.s32 $0x380, s20;
	s20 =	sadd.s32 $0x2000, s20  }
0x4f: {  	[hbm4b:s22+s15] =	stream.strided.scatter [tilespmem:s21], [sflag:$0x2], $0x400, s16, s15, $0x38;
	[tilespmem:$0x10000] =	vst v63  }
0x50: {  	s20 =	sadd.s32 s18, s7;
	s19 =	simm.s32 $0x0  }
0x51: {  	[hbm4b:s20+s15] =	stream.strided.scatter [tilespmem:s19], [sflag:$0x2], $0x400, s16, s15, $0x38;
	[tilespmem:$0x10000] =	vst v63  }
0x52: {  	s30 =	simm.s32 $0x400;
	s31 =	sadd.s32 $0x80, s20  }
0x53: {  	[hbm4b:s31+s15] =	stream.strided.scatter [tilespmem:s30], [sflag:$0x2], $0x400, s16, s15, $0x38;
	[tilespmem:$0x10000] =	vst v63  }
0x54: {  	s21 =	simm.s32 $0x800;
	s22 =	sadd.s32 $0x100, s20  }
0x55: {  	[hbm4b:s22+s15] =	stream.strided.scatter [tilespmem:s21], [sflag:$0x2], $0x400, s16, s15, $0x38;
	[tilespmem:$0x10000] =	vst v63  }
0x56: {  	s23 =	simm.s32 $0xC00;
	s25 =	simm.s32 $0x1000;
	s24 =	sadd.s32 $0x180, s20  }
0x57: {  	[hbm4b:s24+s15] =	stream.strided.scatter [tilespmem:s23], [sflag:$0x2], $0x400, s16, s15, $0x38;
	[tilespmem:$0x10000] =	vst v63  }
0x58: {  	s28 =	simm.s32 $0x1400;
	s26 =	sadd.s32 $0x200, s20;
	s29 =	sadd.s32 $0x280, s20  }
0x59: {  	[hbm4b:s26+s15] =	stream.strided.scatter [tilespmem:s25], [sflag:$0x2], $0x400, s16, s15, $0x38;
	[tilespmem:$0x10000] =	vst v63  }
0x5a: {  	s19 =	simm.s32 $0x8000;
	s30 =	simm.s32 $0x1800;
	s31 =	sadd.s32 $0x300, s20  }
0x5b: {  	[hbm4b:s29+s15] =	stream.strided.scatter [tilespmem:s28], [sflag:$0x2], $0x400, s16, s15, $0x38;
	[tilespmem:$0x10000] =	vst v63  }
0x5c: {  	s21 =	simm.s32 $0x1C00;
	s22 =	sadd.s32 $0x380, s20;
	s20 =	sadd.s32 $0x2000, s20  }
0x5d: {  	[hbm4b:s31+s15] =	stream.strided.scatter [tilespmem:s30], [sflag:$0x2], $0x400, s16, s15, $0x38;
	[tilespmem:$0x10000] =	vst v63  }
.LBB2_7:
0x5e: {  	[hbm4b:s22+s15] =	stream.strided.scatter [tilespmem:s21], [sflag:$0x2], $0x400, s16, s15, $0x38;
	[tilespmem:$0x10000] =	vst v63  }
0x5f: {  	s21 =	sshra.s32 s19, $0x2;
	p1 =	sne.s32 s19, $0x38000;
	s19 =	sadd.s32 $0x8000, s19  }
0x60: {  	[hbm4b:s20+s15] =	stream.strided.scatter [tilespmem:s21], [sflag:$0x2], $0x400, s16, s15, $0x38;
	[tilespmem:$0x10000] =	vst v63  }
0x61: {  	s23 =	sadd.s32 $0x80, s20;
	s22 =	sadd.s32 $0x400, s21  }
0x62: {  	[hbm4b:s23+s15] =	stream.strided.scatter [tilespmem:s22], [sflag:$0x2], $0x400, s16, s15, $0x38;
	[tilespmem:$0x10000] =	vst v63  }
0x63: {  	s22 =	sadd.s32 $0x800, s21;
	s23 =	sadd.s32 $0x100, s20  }
0x64: {  	[hbm4b:s23+s15] =	stream.strided.scatter [tilespmem:s22], [sflag:$0x2], $0x400, s16, s15, $0x38;
	[tilespmem:$0x10000] =	vst v63  }
0x65: {  	s22 =	sadd.s32 $0xC00, s21;
	s23 =	sadd.s32 $0x180, s20  }
0x66: {  	[hbm4b:s23+s15] =	stream.strided.scatter [tilespmem:s22], [sflag:$0x2], $0x400, s16, s15, $0x38;
	[tilespmem:$0x10000] =	vst v63  }
0x67: {  	s22 =	sadd.s32 $0x1000, s21;
	s23 =	sadd.s32 $0x200, s20  }
0x68: {  	[hbm4b:s23+s15] =	stream.strided.scatter [tilespmem:s22], [sflag:$0x2], $0x400, s16, s15, $0x38;
	[tilespmem:$0x10000] =	vst v63  }
.Ltmp2:
0x69: {  	s22 =	sadd.s32 $0x1400, s21;
	s23 =	sadd.s32 $0x280, s20;
	(pc) =	sbr.rel @p1 .LBB2_7-.Ltmp2, $4  }
0x6a: {  	[hbm4b:s23+s15] =	stream.strided.scatter [tilespmem:s22], [sflag:$0x2], $0x400, s16, s15, $0x38;
	[tilespmem:$0x10000] =	vst v63  }
0x6b: {  	s22 =	sadd.s32 $0x1800, s21;
	s23 =	sadd.s32 $0x300, s20  }
0x6c: {  	[hbm4b:s23+s15] =	stream.strided.scatter [tilespmem:s22], [sflag:$0x2], $0x400, s16, s15, $0x38;
	[tilespmem:$0x10000] =	vst v63  }
0x6d: {  	s21 =	sadd.s32 $0x1C00, s21;
	s22 =	sadd.s32 $0x380, s20;
	s20 =	sadd.s32 $0x2000, s20  }
0x6e: {  	[hbm4b:s22+s15] =	stream.strided.scatter [tilespmem:s21], [sflag:$0x2], $0x400, s16, s15, $0x38;
	[tilespmem:$0x10000] =	vst v63  }
0x6f: {  	s20 =	sadd.s32 s18, s8;
	s19 =	simm.s32 $0x0  }
0x70: {  	[hbm4b:s20+s15] =	stream.strided.scatter [tilespmem:s19], [sflag:$0x2], $0x400, s16, s15, $0x38;
	[tilespmem:$0x10000] =	vst v63  }
0x71: {  	s30 =	simm.s32 $0x400;
	s31 =	sadd.s32 $0x80, s20  }
0x72: {  	[hbm4b:s31+s15] =	stream.strided.scatter [tilespmem:s30], [sflag:$0x2], $0x400, s16, s15, $0x38;
	[tilespmem:$0x10000] =	vst v63  }
0x73: {  	s21 =	simm.s32 $0x800;
	s22 =	sadd.s32 $0x100, s20  }
0x74: {  	[hbm4b:s22+s15] =	stream.strided.scatter [tilespmem:s21], [sflag:$0x2], $0x400, s16, s15, $0x38;
	[tilespmem:$0x10000] =	vst v63  }
0x75: {  	s23 =	simm.s32 $0xC00;
	s25 =	simm.s32 $0x1000;
	s24 =	sadd.s32 $0x180, s20  }
0x76: {  	[hbm4b:s24+s15] =	stream.strided.scatter [tilespmem:s23], [sflag:$0x2], $0x400, s16, s15, $0x38;
	[tilespmem:$0x10000] =	vst v63  }
0x77: {  	s28 =	simm.s32 $0x1400;
	s26 =	sadd.s32 $0x200, s20;
	s29 =	sadd.s32 $0x280, s20  }
0x78: {  	[hbm4b:s26+s15] =	stream.strided.scatter [tilespmem:s25], [sflag:$0x2], $0x400, s16, s15, $0x38;
	[tilespmem:$0x10000] =	vst v63  }
0x79: {  	s19 =	simm.s32 $0x8000;
	s30 =	simm.s32 $0x1800;
	s31 =	sadd.s32 $0x300, s20  }
0x7a: {  	[hbm4b:s29+s15] =	stream.strided.scatter [tilespmem:s28], [sflag:$0x2], $0x400, s16, s15, $0x38;
	[tilespmem:$0x10000] =	vst v63  }
0x7b: {  	s21 =	simm.s32 $0x1C00;
	s22 =	sadd.s32 $0x380, s20;
	s20 =	sadd.s32 $0x2000, s20  }
0x7c: {  	[hbm4b:s31+s15] =	stream.strided.scatter [tilespmem:s30], [sflag:$0x2], $0x400, s16, s15, $0x38;
	[tilespmem:$0x10000] =	vst v63  }
.LBB2_9:
0x7d: {  	[hbm4b:s22+s15] =	stream.strided.scatter [tilespmem:s21], [sflag:$0x2], $0x400, s16, s15, $0x38;
	[tilespmem:$0x10000] =	vst v63  }
0x7e: {  	s21 =	sshra.s32 s19, $0x2;
	p1 =	sne.s32 s19, $0x38000;
	s19 =	sadd.s32 $0x8000, s19  }
0x7f: {  	[hbm4b:s20+s15] =	stream.strided.scatter [tilespmem:s21], [sflag:$0x2], $0x400, s16, s15, $0x38;
	[tilespmem:$0x10000] =	vst v63  }
0x80: {  	s23 =	sadd.s32 $0x80, s20;
	s22 =	sadd.s32 $0x400, s21  }
0x81: {  	[hbm4b:s23+s15] =	stream.strided.scatter [tilespmem:s22], [sflag:$0x2], $0x400, s16, s15, $0x38;
	[tilespmem:$0x10000] =	vst v63  }
0x82: {  	s22 =	sadd.s32 $0x800, s21;
	s23 =	sadd.s32 $0x100, s20  }
0x83: {  	[hbm4b:s23+s15] =	stream.strided.scatter [tilespmem:s22], [sflag:$0x2], $0x400, s16, s15, $0x38;
	[tilespmem:$0x10000] =	vst v63  }
0x84: {  	s22 =	sadd.s32 $0xC00, s21;
	s23 =	sadd.s32 $0x180, s20  }
0x85: {  	[hbm4b:s23+s15] =	stream.strided.scatter [tilespmem:s22], [sflag:$0x2], $0x400, s16, s15, $0x38;
	[tilespmem:$0x10000] =	vst v63  }
0x86: {  	s22 =	sadd.s32 $0x1000, s21;
	s23 =	sadd.s32 $0x200, s20  }
0x87: {  	[hbm4b:s23+s15] =	stream.strided.scatter [tilespmem:s22], [sflag:$0x2], $0x400, s16, s15, $0x38;
	[tilespmem:$0x10000] =	vst v63  }
.Ltmp3:
0x88: {  	s22 =	sadd.s32 $0x1400, s21;
	s23 =	sadd.s32 $0x280, s20;
	(pc) =	sbr.rel @p1 .LBB2_9-.Ltmp3, $4  }
0x89: {  	[hbm4b:s23+s15] =	stream.strided.scatter [tilespmem:s22], [sflag:$0x2], $0x400, s16, s15, $0x38;
	[tilespmem:$0x10000] =	vst v63  }
0x8a: {  	s22 =	sadd.s32 $0x1800, s21;
	s23 =	sadd.s32 $0x300, s20  }
0x8b: {  	[hbm4b:s23+s15] =	stream.strided.scatter [tilespmem:s22], [sflag:$0x2], $0x400, s16, s15, $0x38;
	[tilespmem:$0x10000] =	vst v63  }
0x8c: {  	s21 =	sadd.s32 $0x1C00, s21;
	s22 =	sadd.s32 $0x380, s20;
	s20 =	sadd.s32 $0x2000, s20  }
0x8d: {  	[hbm4b:s22+s15] =	stream.strided.scatter [tilespmem:s21], [sflag:$0x2], $0x400, s16, s15, $0x38;
	[tilespmem:$0x10000] =	vst v63  }
0x8e: {  	s20 =	sadd.s32 s18, s9;
	s19 =	simm.s32 $0x0  }
0x8f: {  	[hbm4b:s20+s15] =	stream.strided.scatter [tilespmem:s19], [sflag:$0x2], $0x400, s16, s15, $0x38;
	[tilespmem:$0x10000] =	vst v63  }
0x90: {  	s30 =	simm.s32 $0x400;
	s31 =	sadd.s32 $0x80, s20  }
0x91: {  	[hbm4b:s31+s15] =	stream.strided.scatter [tilespmem:s30], [sflag:$0x2], $0x400, s16, s15, $0x38;
	[tilespmem:$0x10000] =	vst v63  }
0x92: {  	s21 =	simm.s32 $0x800;
	s22 =	sadd.s32 $0x100, s20  }
0x93: {  	[hbm4b:s22+s15] =	stream.strided.scatter [tilespmem:s21], [sflag:$0x2], $0x400, s16, s15, $0x38;
	[tilespmem:$0x10000] =	vst v63  }
0x94: {  	s23 =	simm.s32 $0xC00;
	s25 =	simm.s32 $0x1000;
	s24 =	sadd.s32 $0x180, s20  }
0x95: {  	[hbm4b:s24+s15] =	stream.strided.scatter [tilespmem:s23], [sflag:$0x2], $0x400, s16, s15, $0x38;
	[tilespmem:$0x10000] =	vst v63  }
0x96: {  	s28 =	simm.s32 $0x1400;
	s26 =	sadd.s32 $0x200, s20;
	s29 =	sadd.s32 $0x280, s20  }
0x97: {  	[hbm4b:s26+s15] =	stream.strided.scatter [tilespmem:s25], [sflag:$0x2], $0x400, s16, s15, $0x38;
	[tilespmem:$0x10000] =	vst v63  }
0x98: {  	s19 =	simm.s32 $0x8000;
	s30 =	simm.s32 $0x1800;
	s31 =	sadd.s32 $0x300, s20  }
0x99: {  	[hbm4b:s29+s15] =	stream.strided.scatter [tilespmem:s28], [sflag:$0x2], $0x400, s16, s15, $0x38;
	[tilespmem:$0x10000] =	vst v63  }
0x9a: {  	s21 =	simm.s32 $0x1C00;
	s22 =	sadd.s32 $0x380, s20;
	s20 =	sadd.s32 $0x2000, s20  }
0x9b: {  	[hbm4b:s31+s15] =	stream.strided.scatter [tilespmem:s30], [sflag:$0x2], $0x400, s16, s15, $0x38;
	[tilespmem:$0x10000] =	vst v63  }
.LBB2_11:
0x9c: {  	[hbm4b:s22+s15] =	stream.strided.scatter [tilespmem:s21], [sflag:$0x2], $0x400, s16, s15, $0x38;
	[tilespmem:$0x10000] =	vst v63  }
0x9d: {  	s21 =	sshra.s32 s19, $0x2;
	p1 =	sne.s32 s19, $0x38000;
	s19 =	sadd.s32 $0x8000, s19  }
0x9e: {  	[hbm4b:s20+s15] =	stream.strided.scatter [tilespmem:s21], [sflag:$0x2], $0x400, s16, s15, $0x38;
	[tilespmem:$0x10000] =	vst v63  }
0x9f: {  	s23 =	sadd.s32 $0x80, s20;
	s22 =	sadd.s32 $0x400, s21  }
0xa0: {  	[hbm4b:s23+s15] =	stream.strided.scatter [tilespmem:s22], [sflag:$0x2], $0x400, s16, s15, $0x38;
	[tilespmem:$0x10000] =	vst v63  }
0xa1: {  	s22 =	sadd.s32 $0x800, s21;
	s23 =	sadd.s32 $0x100, s20  }
0xa2: {  	[hbm4b:s23+s15] =	stream.strided.scatter [tilespmem:s22], [sflag:$0x2], $0x400, s16, s15, $0x38;
	[tilespmem:$0x10000] =	vst v63  }
0xa3: {  	s22 =	sadd.s32 $0xC00, s21;
	s23 =	sadd.s32 $0x180, s20  }
0xa4: {  	[hbm4b:s23+s15] =	stream.strided.scatter [tilespmem:s22], [sflag:$0x2], $0x400, s16, s15, $0x38;
	[tilespmem:$0x10000] =	vst v63  }
0xa5: {  	s22 =	sadd.s32 $0x1000, s21;
	s23 =	sadd.s32 $0x200, s20  }
0xa6: {  	[hbm4b:s23+s15] =	stream.strided.scatter [tilespmem:s22], [sflag:$0x2], $0x400, s16, s15, $0x38;
	[tilespmem:$0x10000] =	vst v63  }
.Ltmp4:
0xa7: {  	s22 =	sadd.s32 $0x1400, s21;
	s23 =	sadd.s32 $0x280, s20;
	(pc) =	sbr.rel @p1 .LBB2_11-.Ltmp4, $4  }
0xa8: {  	[hbm4b:s23+s15] =	stream.strided.scatter [tilespmem:s22], [sflag:$0x2], $0x400, s16, s15, $0x38;
	[tilespmem:$0x10000] =	vst v63  }
0xa9: {  	s22 =	sadd.s32 $0x1800, s21;
	s23 =	sadd.s32 $0x300, s20  }
0xaa: {  	[hbm4b:s23+s15] =	stream.strided.scatter [tilespmem:s22], [sflag:$0x2], $0x400, s16, s15, $0x38;
	[tilespmem:$0x10000] =	vst v63  }
0xab: {  	s21 =	sadd.s32 $0x1C00, s21;
	s22 =	sadd.s32 $0x380, s20;
	s20 =	sadd.s32 $0x2000, s20  }
0xac: {  	[hbm4b:s22+s15] =	stream.strided.scatter [tilespmem:s21], [sflag:$0x2], $0x400, s16, s15, $0x38;
	[tilespmem:$0x10000] =	vst v63  }
0xad: {  	s20 =	sadd.s32 s18, s10;
	s19 =	simm.s32 $0x0  }
0xae: {  	[hbm4b:s20+s15] =	stream.strided.scatter [tilespmem:s19], [sflag:$0x2], $0x400, s16, s15, $0x38;
	[tilespmem:$0x10000] =	vst v63  }
0xaf: {  	s30 =	simm.s32 $0x400;
	s31 =	sadd.s32 $0x80, s20  }
0xb0: {  	[hbm4b:s31+s15] =	stream.strided.scatter [tilespmem:s30], [sflag:$0x2], $0x400, s16, s15, $0x38;
	[tilespmem:$0x10000] =	vst v63  }
0xb1: {  	s21 =	simm.s32 $0x800;
	s22 =	sadd.s32 $0x100, s20  }
0xb2: {  	[hbm4b:s22+s15] =	stream.strided.scatter [tilespmem:s21], [sflag:$0x2], $0x400, s16, s15, $0x38;
	[tilespmem:$0x10000] =	vst v63  }
0xb3: {  	s23 =	simm.s32 $0xC00;
	s25 =	simm.s32 $0x1000;
	s24 =	sadd.s32 $0x180, s20  }
0xb4: {  	[hbm4b:s24+s15] =	stream.strided.scatter [tilespmem:s23], [sflag:$0x2], $0x400, s16, s15, $0x38;
	[tilespmem:$0x10000] =	vst v63  }
0xb5: {  	s28 =	simm.s32 $0x1400;
	s26 =	sadd.s32 $0x200, s20;
	s29 =	sadd.s32 $0x280, s20  }
0xb6: {  	[hbm4b:s26+s15] =	stream.strided.scatter [tilespmem:s25], [sflag:$0x2], $0x400, s16, s15, $0x38;
	[tilespmem:$0x10000] =	vst v63  }
0xb7: {  	s19 =	simm.s32 $0x8000;
	s30 =	simm.s32 $0x1800;
	s31 =	sadd.s32 $0x300, s20  }
0xb8: {  	[hbm4b:s29+s15] =	stream.strided.scatter [tilespmem:s28], [sflag:$0x2], $0x400, s16, s15, $0x38;
	[tilespmem:$0x10000] =	vst v63  }
0xb9: {  	s21 =	simm.s32 $0x1C00;
	s22 =	sadd.s32 $0x380, s20;
	s20 =	sadd.s32 $0x2000, s20  }
0xba: {  	[hbm4b:s31+s15] =	stream.strided.scatter [tilespmem:s30], [sflag:$0x2], $0x400, s16, s15, $0x38;
	[tilespmem:$0x10000] =	vst v63  }
.LBB2_13:
0xbb: {  	[hbm4b:s22+s15] =	stream.strided.scatter [tilespmem:s21], [sflag:$0x2], $0x400, s16, s15, $0x38;
	[tilespmem:$0x10000] =	vst v63  }
0xbc: {  	s21 =	sshra.s32 s19, $0x2;
	p1 =	sne.s32 s19, $0x38000;
	s19 =	sadd.s32 $0x8000, s19  }
0xbd: {  	[hbm4b:s20+s15] =	stream.strided.scatter [tilespmem:s21], [sflag:$0x2], $0x400, s16, s15, $0x38;
	[tilespmem:$0x10000] =	vst v63  }
0xbe: {  	s23 =	sadd.s32 $0x80, s20;
	s22 =	sadd.s32 $0x400, s21  }
0xbf: {  	[hbm4b:s23+s15] =	stream.strided.scatter [tilespmem:s22], [sflag:$0x2], $0x400, s16, s15, $0x38;
	[tilespmem:$0x10000] =	vst v63  }
0xc0: {  	s22 =	sadd.s32 $0x800, s21;
	s23 =	sadd.s32 $0x100, s20  }
0xc1: {  	[hbm4b:s23+s15] =	stream.strided.scatter [tilespmem:s22], [sflag:$0x2], $0x400, s16, s15, $0x38;
	[tilespmem:$0x10000] =	vst v63  }
0xc2: {  	s22 =	sadd.s32 $0xC00, s21;
	s23 =	sadd.s32 $0x180, s20  }
0xc3: {  	[hbm4b:s23+s15] =	stream.strided.scatter [tilespmem:s22], [sflag:$0x2], $0x400, s16, s15, $0x38;
	[tilespmem:$0x10000] =	vst v63  }
0xc4: {  	s22 =	sadd.s32 $0x1000, s21;
	s23 =	sadd.s32 $0x200, s20  }
0xc5: {  	[hbm4b:s23+s15] =	stream.strided.scatter [tilespmem:s22], [sflag:$0x2], $0x400, s16, s15, $0x38;
	[tilespmem:$0x10000] =	vst v63  }
.Ltmp5:
0xc6: {  	s22 =	sadd.s32 $0x1400, s21;
	s23 =	sadd.s32 $0x280, s20;
	(pc) =	sbr.rel @p1 .LBB2_13-.Ltmp5, $4  }
0xc7: {  	[hbm4b:s23+s15] =	stream.strided.scatter [tilespmem:s22], [sflag:$0x2], $0x400, s16, s15, $0x38;
	[tilespmem:$0x10000] =	vst v63  }
0xc8: {  	s22 =	sadd.s32 $0x1800, s21;
	s23 =	sadd.s32 $0x300, s20  }
0xc9: {  	[hbm4b:s23+s15] =	stream.strided.scatter [tilespmem:s22], [sflag:$0x2], $0x400, s16, s15, $0x38;
	[tilespmem:$0x10000] =	vst v63  }
0xca: {  	s21 =	sadd.s32 $0x1C00, s21;
	s22 =	sadd.s32 $0x380, s20;
	s20 =	sadd.s32 $0x2000, s20  }
0xcb: {  	[hbm4b:s22+s15] =	stream.strided.scatter [tilespmem:s21], [sflag:$0x2], $0x400, s16, s15, $0x38;
	[tilespmem:$0x10000] =	vst v63  }
0xcc: {  	s20 =	sadd.s32 s18, s11;
	s19 =	simm.s32 $0x0  }
0xcd: {  	[hbm4b:s20+s15] =	stream.strided.scatter [tilespmem:s19], [sflag:$0x2], $0x400, s16, s15, $0x38;
	[tilespmem:$0x10000] =	vst v63  }
0xce: {  	s30 =	simm.s32 $0x400;
	s31 =	sadd.s32 $0x80, s20  }
0xcf: {  	[hbm4b:s31+s15] =	stream.strided.scatter [tilespmem:s30], [sflag:$0x2], $0x400, s16, s15, $0x38;
	[tilespmem:$0x10000] =	vst v63  }
0xd0: {  	s21 =	simm.s32 $0x800;
	s22 =	sadd.s32 $0x100, s20  }
0xd1: {  	[hbm4b:s22+s15] =	stream.strided.scatter [tilespmem:s21], [sflag:$0x2], $0x400, s16, s15, $0x38;
	[tilespmem:$0x10000] =	vst v63  }
0xd2: {  	s23 =	simm.s32 $0xC00;
	s25 =	simm.s32 $0x1000;
	s24 =	sadd.s32 $0x180, s20  }
0xd3: {  	[hbm4b:s24+s15] =	stream.strided.scatter [tilespmem:s23], [sflag:$0x2], $0x400, s16, s15, $0x38;
	[tilespmem:$0x10000] =	vst v63  }
0xd4: {  	s28 =	simm.s32 $0x1400;
	s26 =	sadd.s32 $0x200, s20;
	s29 =	sadd.s32 $0x280, s20  }
0xd5: {  	[hbm4b:s26+s15] =	stream.strided.scatter [tilespmem:s25], [sflag:$0x2], $0x400, s16, s15, $0x38;
	[tilespmem:$0x10000] =	vst v63  }
0xd6: {  	s19 =	simm.s32 $0x8000;
	s30 =	simm.s32 $0x1800;
	s31 =	sadd.s32 $0x300, s20  }
0xd7: {  	[hbm4b:s29+s15] =	stream.strided.scatter [tilespmem:s28], [sflag:$0x2], $0x400, s16, s15, $0x38;
	[tilespmem:$0x10000] =	vst v63  }
0xd8: {  	s21 =	simm.s32 $0x1C00;
	s22 =	sadd.s32 $0x380, s20;
	s20 =	sadd.s32 $0x2000, s20  }
0xd9: {  	[hbm4b:s31+s15] =	stream.strided.scatter [tilespmem:s30], [sflag:$0x2], $0x400, s16, s15, $0x38;
	[tilespmem:$0x10000] =	vst v63  }
.LBB2_15:
0xda: {  	[hbm4b:s22+s15] =	stream.strided.scatter [tilespmem:s21], [sflag:$0x2], $0x400, s16, s15, $0x38;
	[tilespmem:$0x10000] =	vst v63  }
0xdb: {  	s21 =	sshra.s32 s19, $0x2;
	p1 =	sne.s32 s19, $0x38000;
	s19 =	sadd.s32 $0x8000, s19  }
0xdc: {  	[hbm4b:s20+s15] =	stream.strided.scatter [tilespmem:s21], [sflag:$0x2], $0x400, s16, s15, $0x38;
	[tilespmem:$0x10000] =	vst v63  }
0xdd: {  	s23 =	sadd.s32 $0x80, s20;
	s22 =	sadd.s32 $0x400, s21  }
0xde: {  	[hbm4b:s23+s15] =	stream.strided.scatter [tilespmem:s22], [sflag:$0x2], $0x400, s16, s15, $0x38;
	[tilespmem:$0x10000] =	vst v63  }
0xdf: {  	s22 =	sadd.s32 $0x800, s21;
	s23 =	sadd.s32 $0x100, s20  }
0xe0: {  	[hbm4b:s23+s15] =	stream.strided.scatter [tilespmem:s22], [sflag:$0x2], $0x400, s16, s15, $0x38;
	[tilespmem:$0x10000] =	vst v63  }
0xe1: {  	s22 =	sadd.s32 $0xC00, s21;
	s23 =	sadd.s32 $0x180, s20  }
0xe2: {  	[hbm4b:s23+s15] =	stream.strided.scatter [tilespmem:s22], [sflag:$0x2], $0x400, s16, s15, $0x38;
	[tilespmem:$0x10000] =	vst v63  }
0xe3: {  	s22 =	sadd.s32 $0x1000, s21;
	s23 =	sadd.s32 $0x200, s20  }
0xe4: {  	[hbm4b:s23+s15] =	stream.strided.scatter [tilespmem:s22], [sflag:$0x2], $0x400, s16, s15, $0x38;
	[tilespmem:$0x10000] =	vst v63  }
.Ltmp6:
0xe5: {  	s22 =	sadd.s32 $0x1400, s21;
	s23 =	sadd.s32 $0x280, s20;
	(pc) =	sbr.rel @p1 .LBB2_15-.Ltmp6, $4  }
0xe6: {  	[hbm4b:s23+s15] =	stream.strided.scatter [tilespmem:s22], [sflag:$0x2], $0x400, s16, s15, $0x38;
	[tilespmem:$0x10000] =	vst v63  }
0xe7: {  	s22 =	sadd.s32 $0x1800, s21;
	s23 =	sadd.s32 $0x300, s20  }
0xe8: {  	[hbm4b:s23+s15] =	stream.strided.scatter [tilespmem:s22], [sflag:$0x2], $0x400, s16, s15, $0x38;
	[tilespmem:$0x10000] =	vst v63  }
0xe9: {  	s21 =	sadd.s32 $0x1C00, s21;
	s22 =	sadd.s32 $0x380, s20;
	s20 =	sadd.s32 $0x2000, s20  }
0xea: {  	[hbm4b:s22+s15] =	stream.strided.scatter [tilespmem:s21], [sflag:$0x2], $0x400, s16, s15, $0x38;
	[tilespmem:$0x10000] =	vst v63  }
0xeb: {  	s19 =	sadd.s32 s18, s12;
	s30 =	simm.s32 $0x0  }
0xec: {  	[hbm4b:s19+s15] =	stream.strided.scatter [tilespmem:s30], [sflag:$0x2], $0x400, s16, s15, $0x38;
	[tilespmem:$0x10000] =	vst v63  }
0xed: {  	s31 =	simm.s32 $0x400;
	s20 =	sadd.s32 $0x80, s19  }
0xee: {  	[hbm4b:s20+s15] =	stream.strided.scatter [tilespmem:s31], [sflag:$0x2], $0x400, s16, s15, $0x38;
	[tilespmem:$0x10000] =	vst v63  }
0xef: {  	s21 =	simm.s32 $0x800;
	s22 =	sadd.s32 $0x100, s19  }
0xf0: {  	[hbm4b:s22+s15] =	stream.strided.scatter [tilespmem:s21], [sflag:$0x2], $0x400, s16, s15, $0x38;
	[tilespmem:$0x10000] =	vst v63  }
0xf1: {  	s23 =	simm.s32 $0xC00;
	s25 =	simm.s32 $0x1000;
	s24 =	sadd.s32 $0x180, s19  }
0xf2: {  	[hbm4b:s24+s15] =	stream.strided.scatter [tilespmem:s23], [sflag:$0x2], $0x400, s16, s15, $0x38;
	[tilespmem:$0x10000] =	vst v63  }
0xf3: {  	s28 =	simm.s32 $0x1400;
	s18 =	simm.s32 $0x8000;
	s26 =	sadd.s32 $0x200, s19  }
0xf4: {  	[hbm4b:s26+s15] =	stream.strided.scatter [tilespmem:s25], [sflag:$0x2], $0x400, s16, s15, $0x38;
	[tilespmem:$0x10000] =	vst v63  }
0xf5: {  	s29 =	sadd.s32 $0x280, s19;
	s30 =	simm.s32 $0x1800;
	s31 =	sadd.s32 $0x300, s19  }
0xf6: {  	[hbm4b:s29+s15] =	stream.strided.scatter [tilespmem:s28], [sflag:$0x2], $0x400, s16, s15, $0x38;
	[tilespmem:$0x10000] =	vst v63  }
0xf7: {  	s20 =	simm.s32 $0x1C00;
	s21 =	sadd.s32 $0x380, s19;
	s19 =	sadd.s32 $0x2000, s19  }
0xf8: {  	[hbm4b:s31+s15] =	stream.strided.scatter [tilespmem:s30], [sflag:$0x2], $0x400, s16, s15, $0x38;
	[tilespmem:$0x10000] =	vst v63  }
.LBB2_17:
0xf9: {  	[hbm4b:s21+s15] =	stream.strided.scatter [tilespmem:s20], [sflag:$0x2], $0x400, s16, s15, $0x38;
	[tilespmem:$0x10000] =	vst v63  }
0xfa: {  	s20 =	sshra.s32 s18, $0x2;
	p1 =	sne.s32 s18, $0x38000;
	s18 =	sadd.s32 $0x8000, s18  }
0xfb: {  	[hbm4b:s19+s15] =	stream.strided.scatter [tilespmem:s20], [sflag:$0x2], $0x400, s16, s15, $0x38;
	[tilespmem:$0x10000] =	vst v63  }
0xfc: {  	s22 =	sadd.s32 $0x80, s19;
	s21 =	sadd.s32 $0x400, s20  }
0xfd: {  	[hbm4b:s22+s15] =	stream.strided.scatter [tilespmem:s21], [sflag:$0x2], $0x400, s16, s15, $0x38;
	[tilespmem:$0x10000] =	vst v63  }
0xfe: {  	s21 =	sadd.s32 $0x800, s20;
	s22 =	sadd.s32 $0x100, s19  }
0xff: {  	[hbm4b:s22+s15] =	stream.strided.scatter [tilespmem:s21], [sflag:$0x2], $0x400, s16, s15, $0x38;
	[tilespmem:$0x10000] =	vst v63  }
0x100: {  	s21 =	sadd.s32 $0xC00, s20;
	s22 =	sadd.s32 $0x180, s19  }
0x101: {  	[hbm4b:s22+s15] =	stream.strided.scatter [tilespmem:s21], [sflag:$0x2], $0x400, s16, s15, $0x38;
	[tilespmem:$0x10000] =	vst v63  }
0x102: {  	s21 =	sadd.s32 $0x1000, s20;
	s22 =	sadd.s32 $0x200, s19  }
0x103: {  	[hbm4b:s22+s15] =	stream.strided.scatter [tilespmem:s21], [sflag:$0x2], $0x400, s16, s15, $0x38;
	[tilespmem:$0x10000] =	vst v63  }
.Ltmp7:
0x104: {  	s21 =	sadd.s32 $0x1400, s20;
	s22 =	sadd.s32 $0x280, s19;
	(pc) =	sbr.rel @p1 .LBB2_17-.Ltmp7, $4  }
0x105: {  	[hbm4b:s22+s15] =	stream.strided.scatter [tilespmem:s21], [sflag:$0x2], $0x400, s16, s15, $0x38;
	[tilespmem:$0x10000] =	vst v63  }
0x106: {  	s21 =	sadd.s32 $0x1800, s20;
	s22 =	sadd.s32 $0x300, s19  }
0x107: {  	[hbm4b:s22+s15] =	stream.strided.scatter [tilespmem:s21], [sflag:$0x2], $0x400, s16, s15, $0x38;
	[tilespmem:$0x10000] =	vst v63  }
0x108: {  	s20 =	sadd.s32 $0x1C00, s20;
	s21 =	sadd.s32 $0x380, s19;
	s19 =	sadd.s32 $0x2000, s19  }
0x109: {  	[hbm4b:s21+s15] =	stream.strided.scatter [tilespmem:s20], [sflag:$0x2], $0x400, s16, s15, $0x38;
	[tilespmem:$0x10000] =	vst v63  }
0x10a: {  	_ =	swait.ge [sflag:s17], $0x10000  }
0x10b: {  	[sflag:s17] =	ssyncset.done $0x0  }
0x10c: {  	[sflag:s17] =	ssyncadd.s32 $0xFFFF0000  }
0x10d: {  	_ =	swait.ge [sflag:s17], $0x10000  }
0x10e: {  	[sflag:s17] =	ssyncset.done $0x0  }
0x10f: {  	[sflag:s17] =	ssyncadd.s32 $0xFFFF0000  }
0x110: {  	_ =	swait.ge [sflag:s17], $0x10000  }
0x111: {  	[sflag:s17] =	ssyncset.done $0x0  }
0x112: {  	[sflag:s17] =	ssyncadd.s32 $0xFFFF0000  }
0x113: {  	_ =	swait.ge [sflag:s17], $0x10000  }
0x114: {  	[sflag:s17] =	ssyncset.done $0x0  }
0x115: {  	[sflag:s17] =	ssyncadd.s32 $0xFFFF0000  }
0x116: {  	_ =	swait.ge [sflag:s17], $0x10000  }
0x117: {  	[sflag:s17] =	ssyncset.done $0x0  }
0x118: {  	[sflag:s17] =	ssyncadd.s32 $0xFFFF0000  }
0x119: {  	_ =	swait.ge [sflag:s17], $0x10000  }
0x11a: {  	[sflag:s17] =	ssyncset.done $0x0  }
0x11b: {  	[sflag:s17] =	ssyncadd.s32 $0xFFFF0000  }
0x11c: {  	_ =	swait.ge [sflag:s17], $0x10000  }
.Ltmp8:
0x11d: {  	[sflag:s17] =	ssyncset.done $0x0;
	(pc) =	sbr.rel @p0 .LBB2_2-.Ltmp8, $4  }
0x11e: {  	[sflag:s17] =	ssyncadd.s32 $0xFFFF0000  }
0x11f: {  	_ =	swait.ge [sflag:s17], $0x10000  }
0x120: {  	[sflag:s17] =	ssyncset.done $0x0  }
0x121: {  	s18 =	simm.s32 $0x40;
	p1 =	por $0x0, $0x0;
	[sflag:s17] =	ssyncadd.s32 $0xFFFF0000  }
0x122: {  	s4 =	sadd.s32 $0x1, s4  }
0x123: {  	p0 =	sne.s32 s4, s13  }
.Ltmp9:
0x124: {  	_ = 	snop;
	(pc) =	sbr.rel @p0 .LBB2_1-.Ltmp9, $1  }
0x125: {  	_ =	sdelay $0x3  }
0x126: {  	_ =	sfence.sel $0x180000  }
0x127: {  	[bflag:$0x0] =	sbarrier.arrive $0xFFFF  }
0x128: {  	p0 =	sne.s32 s3, $0x0;
	_ =	strace $0x90000047  }
0x129: {  	s0 =	sadd.s32 @!p0 $0x100000, s0;
	[bflag:$0x2] =	sbarrier.arrive $0xFFFF  }
0x12a: {  	[sflag:s0] =	ssyncadd.tile.s32 @!p0 $0x1;
	_ =	shalt  }
.Lfunc_end2:
_tile_overlayer_lowered:
.L_overlay_start_2:
0x12b: {  	(tag) =	ssettag $0x2  }
0x12c: {  	s0 =	rddreg [dreg:$0x0];
	s2 =	stileid.u32  }
0x12d: {  	s1 =	rddreg [dreg:$0x1];
	p0 =	sne.s32 s2, $0x0  }
0x12e: {  	s3 =	rddreg [dreg:$0x2];
	[bflag:$0x3] =	sbarrier.arrive $0xFFFF;
	s2 =	simm.s32 @!p0 $0x1C03  }
0x12f: {  	[timem:s3], [sflag:s2] =	dma.local @!p0 [hbm:s0], s1  }
0x130: {  	s0 =	simm.s32 @!p0 $0x3  }
0x131: {  	_ =	swait.ge @!p0 [sflag:s0], s1  }
0x132: {  	s1 =	ssub.s32 @!p0 $0x0, s1;
	[sflag:s0] =	ssyncset.done @!p0 $0x0  }
0x133: {  	[sflag:s0] =	ssyncadd.s32 @!p0 s1  }
0x134: {  	[bflag:$0x3] =	sbarrier.arrive $0xFFFF  }
0x135: {  	_ =	shalt  }

</sc_bundles>
